<compile_context>
chip_gen: v7x
topology: tpu7x:2x2x1
jax: 0.10.2.dev20260603
libtpu: 0.0.44.dev20260713+nightly
codegen_flags: <defaults>
</compile_context>

<pallas_src>
import functools

import jax
import jax.numpy as jnp
from jax import lax
from jax.experimental import pallas as pl
from jax.experimental.pallas import tpu as pltpu
from jax.experimental.pallas import tpu_sc as plsc

N = 2097152
N_BINS = 20
OUT_COLS = N_BINS + 1

NC = 2
NS = 16
NW = NC * NS
PER_W = N // NW
CHUNK = 256
GROUPS = CHUNK // 16
NCHUNK = PER_W // CHUNK


def _minmax_tc_kernel(x_ref, mn_ref, mx_ref):
    mn_ref[...] = jnp.full((16,), jnp.min(x_ref[...]), jnp.float32)
    mx_ref[...] = jnp.full((16,), jnp.max(x_ref[...]), jnp.float32)


def _minmax(feature):
    x2d = feature.reshape(2048, 1024)
    return pl.pallas_call(
        _minmax_tc_kernel,
        out_shape=[
            jax.ShapeDtypeStruct((16,), jnp.float32),
            jax.ShapeDtypeStruct((16,), jnp.float32),
        ],
    )(x2d)


def _sc_body(feat_hbm, mn_hbm, mx_hbm, out_hbm,
             xbufs, obufs, ibufs, mnv, mxv, sxs, sos):
    wid = lax.axis_index("s") * NC + lax.axis_index("c")
    base = wid * PER_W

    pltpu.sync_copy(mn_hbm, mnv)
    pltpu.sync_copy(mx_hbm, mxv)
    mn = mnv[...]
    mx = mxv[...]
    scale = 18.0 / (mx - mn)

    ones = jnp.full((16,), 1, jnp.int32)
    zeros = jnp.zeros((16,), jnp.int32)
    lane = lax.iota(jnp.int32, 16)

    def x_copy(c, b):
        return pltpu.make_async_copy(
            feat_hbm.at[pl.ds(base + c * CHUNK, CHUNK)], xbufs[b], sxs[b])

    def o_copy(c, b):
        return pltpu.make_async_copy(
            obufs[b], out_hbm.at[pl.ds(base + c * CHUNK, CHUNK)], sos[b])

    for b in range(2):
        @pl.loop(0, CHUNK)
        def _zero(r, _b=b):
            obufs[_b][r, pl.ds(0, 16)] = zeros
            obufs[_b][r, pl.ds(OUT_COLS - 16, 16)] = zeros

    for b in range(2):
        x_copy(b, b).start()

    @pl.loop(0, NCHUNK, step=2)
    def _chunk2(c0):
        for b in range(2):
            c = c0 + b

            @pl.when(c >= 2)
            def _reclaim():
                o_copy(c - 2, b).wait()

                @pl.loop(0, GROUPS)
                def _restore(g):
                    idx = ibufs[b][pl.ds(g * 16, 16)]
                    plsc.store_scatter(obufs[b], [lane + g * 16, idx],
                                       zeros)

            x_copy(c, b).wait()

            @pl.loop(0, GROUPS)
            def _group(g):
                x = xbufs[b][pl.ds(g * 16, 16)]
                t = (x - mn) * scale
                j = t.astype(jnp.int32)
                idx = jnp.minimum(j + 1, N_BINS - 1)
                plsc.store_scatter(obufs[b], [lane + g * 16, idx], ones)
                ibufs[b][pl.ds(g * 16, 16)] = idx

            @pl.when(c + 2 < NCHUNK)
            def _prefetch():
                x_copy(c + 2, b).start()

            o_copy(c, b).start()

    for b in range(2):
        o_copy(NCHUNK - 2 + b, b).wait()


@functools.partial(
    pl.kernel,
    out_type=jax.ShapeDtypeStruct((N, OUT_COLS), jnp.int32),
    mesh=plsc.VectorSubcoreMesh(core_axis_name="c", subcore_axis_name="s"),
    compiler_params=pltpu.CompilerParams(needs_layout_passes=False),
    scratch_types=[
        pltpu.VMEM((CHUNK,), jnp.float32),
        pltpu.VMEM((CHUNK,), jnp.float32),
        pltpu.VMEM((CHUNK, OUT_COLS), jnp.int32),
        pltpu.VMEM((CHUNK, OUT_COLS), jnp.int32),
        pltpu.VMEM((CHUNK,), jnp.int32),
        pltpu.VMEM((CHUNK,), jnp.int32),
        pltpu.VMEM((16,), jnp.float32),
        pltpu.VMEM((16,), jnp.float32),
        pltpu.SemaphoreType.DMA,
        pltpu.SemaphoreType.DMA,
        pltpu.SemaphoreType.DMA,
        pltpu.SemaphoreType.DMA,
    ],
)
def _sc_onehot(feat_hbm, mn_hbm, mx_hbm, out_hbm,
               xbuf0, xbuf1, obuf0, obuf1, ibuf0, ibuf1, mnv, mxv,
               sx0, sx1, so0, so1):
    _sc_body(feat_hbm, mn_hbm, mx_hbm, out_hbm,
             (xbuf0, xbuf1), (obuf0, obuf1), (ibuf0, ibuf1),
             mnv, mxv, (sx0, sx1), (so0, so1))


def kernel(feature):
    if feature.ndim == 2 and feature.shape[1] == 1:
        feature = jnp.squeeze(feature, axis=1)
    mn16, mx16 = _minmax(feature)
    out = _sc_onehot(feature, mn16, mx16)
    return out.astype(jnp.int64)

# --- scband reference (transcript-rebuilt; emitter-appended) ---
"""Pipeline reference for scband-one-hot-constant-binning-1589137899819 (READ-ONLY COPY).

The authoritative reference and input builder live on the scoring server;
editing this copy changes nothing except your own understanding.
"""

import jax, jax.numpy as jnp
import numpy as np

N_BINS = 20

def setup_inputs(seed: int = 0) -> dict:
    key = jax.random.key(seed)
    feature = jax.random.normal(key, (2097152,), dtype=jnp.float32)
    return {"feature": feature}

def reference(feature):
    # squeeze trailing singleton dim if present (mirrors np.squeeze in original)
    if feature.ndim == 2 and feature.shape[1] == 1:
        feature = jnp.squeeze(feature, axis=1)
    # adapt(): bin_boundaries = linspace(min, max, n_bins - 1) -> 19 boundaries
    boundaries = jnp.linspace(jnp.min(feature), jnp.max(feature), N_BINS - 1)
    # Keras Discretization / tf Bucketize: bucket = count of boundaries <= x
    idx = jnp.searchsorted(boundaries, feature, side='right')
    # one_hot output mode: depth = len(boundaries) + 1 = n_bins
    encoded = jax.nn.one_hot(idx, N_BINS, dtype=jnp.float32)
    # extend with one extra all-zero 'UNK' column -> [N, n_bins + 1]
    extended = jnp.concatenate(
        [encoded, jnp.zeros((encoded.shape[0], 1), dtype=jnp.float32)], axis=1)
    return extended.astype(jnp.int64)

if __name__ == "__main__":
    import jax
    _d = setup_inputs()
    print(jax.jit(kernel)(*tuple(_d.values())))

</pallas_src>

<mosaic_0001>
#map = affine_map<(d0, d1) -> (0)>
#map1 = affine_map<(d0, d1) -> (0, 0)>
module attributes {stable_mosaic.version = 14 : i64} {
  func.func @_sc_onehot(%arg0: i32, %arg1: i32, %arg2: memref<2097152xf32, #tpu.memory_space<hbm>>, %arg3: memref<16xf32, #tpu.memory_space<hbm>>, %arg4: memref<16xf32, #tpu.memory_space<hbm>>, %arg5: memref<2097152x21xi32, #tpu.memory_space<hbm>>, %arg6: memref<256xf32, #tpu.memory_space<vmem>>, %arg7: memref<256xf32, #tpu.memory_space<vmem>>, %arg8: memref<256x21xi32, #tpu.memory_space<vmem>>, %arg9: memref<256x21xi32, #tpu.memory_space<vmem>>, %arg10: memref<256xi32, #tpu.memory_space<vmem>>, %arg11: memref<256xi32, #tpu.memory_space<vmem>>, %arg12: memref<16xf32, #tpu.memory_space<vmem>>, %arg13: memref<16xf32, #tpu.memory_space<vmem>>, %arg14: memref<!tpu.dma_semaphore, #tpu.memory_space<semaphore_mem>>, %arg15: memref<!tpu.dma_semaphore, #tpu.memory_space<semaphore_mem>>, %arg16: memref<!tpu.dma_semaphore, #tpu.memory_space<semaphore_mem>>, %arg17: memref<!tpu.dma_semaphore, #tpu.memory_space<semaphore_mem>>) attributes {dimension_semantics = [#tpu.dimension_semantics<core_parallel>, #tpu.dimension_semantics<subcore_parallel>], iteration_bounds = array<i64: 2, 16>, scalar_prefetch = 0 : i64, scratch_operands = 12 : i64, tpu.core_type = #tpu.core_type<sc_vector_subcore>, window_params = [{transform_indices = #map}, {transform_indices = #map}, {transform_indices = #map}, {transform_indices = #map1}]} {
    %mul3A = arith.constant 2 : i32
    %mul3A_0 = arith.muli %arg1, %mul3A : i32
    %add3A = arith.addi %mul3A_0, %arg0 : i32
    %mul3A_1 = arith.constant 65536 : i32
    %mul3A_2 = arith.muli %add3A, %mul3A_1 : i32
    "tpu.region"() ({
      %run_scoped3A = tpu.sem_alloc : memref<!tpu.dma_semaphore, #tpu.memory_space<semaphore_mem>>
      tpu.enqueue_dma source(%arg3 : memref<16xf32, #tpu.memory_space<hbm>>) target(%arg12 : memref<16xf32, #tpu.memory_space<vmem>>) target_semaphore(%run_scoped3A : memref<!tpu.dma_semaphore, #tpu.memory_space<semaphore_mem>>)
      tpu.wait_dma2 semaphore(%run_scoped3A : memref<!tpu.dma_semaphore, #tpu.memory_space<semaphore_mem>>) src(%arg3 : memref<16xf32, #tpu.memory_space<hbm>>) dst(%arg12 : memref<16xf32, #tpu.memory_space<vmem>>)
      tpu.yield
    }) : () -> ()
    "tpu.region"() ({
      %run_scoped3A = tpu.sem_alloc : memref<!tpu.dma_semaphore, #tpu.memory_space<semaphore_mem>>
      tpu.enqueue_dma source(%arg4 : memref<16xf32, #tpu.memory_space<hbm>>) target(%arg13 : memref<16xf32, #tpu.memory_space<vmem>>) target_semaphore(%run_scoped3A : memref<!tpu.dma_semaphore, #tpu.memory_space<semaphore_mem>>)
      tpu.wait_dma2 semaphore(%run_scoped3A : memref<!tpu.dma_semaphore, #tpu.memory_space<semaphore_mem>>) src(%arg4 : memref<16xf32, #tpu.memory_space<hbm>>) dst(%arg13 : memref<16xf32, #tpu.memory_space<vmem>>)
      tpu.yield
    }) : () -> ()
    %get3A = arith.constant 0 : index
    %get3A_3 = tpu.vector_load %arg12[%get3A] {strides = array<i32>} : memref<16xf32, #tpu.memory_space<vmem>>, vector<16xf32>,
    %get3A_4 = arith.constant 0 : index
    %get3A_5 = tpu.vector_load %arg13[%get3A_4] {strides = array<i32>} : memref<16xf32, #tpu.memory_space<vmem>>, vector<16xf32>,
    %sub3A = arith.subf %get3A_5, %get3A_3 : vector<16xf32>
    %div3A = arith.constant 1.800000e+01 : f32
    %div3A_6 = vector.broadcast %div3A : f32 to vector<16xf32>
    %div3A_7 = arith.divf %div3A_6, %sub3A : vector<16xf32>
    %broadcast_in_dim3A = arith.constant 1 : i32
    %broadcast_in_dim3A_8 = vector.broadcast %broadcast_in_dim3A : i32 to vector<16xi32>
    %broadcast_in_dim3A_9 = arith.constant 0 : i32
    %broadcast_in_dim3A_10 = vector.broadcast %broadcast_in_dim3A_9 : i32 to vector<16xi32>
    %iota3A = tpu.iota {dimensions = array<i32: 0>} : vector<16xi32>
    %scan3A = arith.constant 0 : i32
    %scan3A_11 = arith.constant 256 : i32
    %scan3A_12 = arith.addi %scan3A, %scan3A_11 : i32
    %scan3A_13 = arith.constant 1 : i32
    scf.for %scan3A_43 = %scan3A to %scan3A_12 step %scan3A_13  : i32 {
      %mul3A_44 = arith.constant 1 : i32
      %mul3A_45 = arith.muli %scan3A_43, %mul3A_44 : i32
      %add3A_46 = arith.constant 0 : i32
      %add3A_47 = arith.addi %add3A_46, %mul3A_45 : i32
      %swap3A = arith.index_cast %add3A_47 : i32 to index
      %swap3A_48 = arith.constant 0 : index
      %swap3A_49 = tpu.vector_load %arg8[%swap3A, %swap3A_48] {strides = array<i32>} : memref<256x21xi32, #tpu.memory_space<vmem>>, vector<16xi32>,
      tpu.vector_store %arg8[%swap3A, %swap3A_48], %broadcast_in_dim3A_10 {strides = array<i32>} : memref<256x21xi32, #tpu.memory_space<vmem>>, vector<16xi32>,
      %swap3A_50 = arith.index_cast %add3A_47 : i32 to index
      %swap3A_51 = arith.constant 5 : index
      %swap3A_52 = tpu.vector_load %arg8[%swap3A_50, %swap3A_51] {strides = array<i32>} : memref<256x21xi32, #tpu.memory_space<vmem>>, vector<16xi32>,
      tpu.vector_store %arg8[%swap3A_50, %swap3A_51], %broadcast_in_dim3A_10 {strides = array<i32>} : memref<256x21xi32, #tpu.memory_space<vmem>>, vector<16xi32>,
    }
    %scan3A_14 = arith.constant 256 : i32
    %scan3A_15 = arith.constant 0 : i32
    %scan3A_16 = arith.constant 256 : i32
    %scan3A_17 = arith.addi %scan3A_15, %scan3A_16 : i32
    %scan3A_18 = arith.constant 1 : i32
    scf.for %scan3A_43 = %scan3A_15 to %scan3A_17 step %scan3A_18  : i32 {
      %mul3A_44 = arith.constant 1 : i32
      %mul3A_45 = arith.muli %scan3A_43, %mul3A_44 : i32
      %add3A_46 = arith.constant 0 : i32
      %add3A_47 = arith.addi %add3A_46, %mul3A_45 : i32
      %swap3A = arith.index_cast %add3A_47 : i32 to index
      %swap3A_48 = arith.constant 0 : index
      %swap3A_49 = tpu.vector_load %arg9[%swap3A, %swap3A_48] {strides = array<i32>} : memref<256x21xi32, #tpu.memory_space<vmem>>, vector<16xi32>,
      tpu.vector_store %arg9[%swap3A, %swap3A_48], %broadcast_in_dim3A_10 {strides = array<i32>} : memref<256x21xi32, #tpu.memory_space<vmem>>, vector<16xi32>,
      %swap3A_50 = arith.index_cast %add3A_47 : i32 to index
      %swap3A_51 = arith.constant 5 : index
      %swap3A_52 = tpu.vector_load %arg9[%swap3A_50, %swap3A_51] {strides = array<i32>} : memref<256x21xi32, #tpu.memory_space<vmem>>, vector<16xi32>,
      tpu.vector_store %arg9[%swap3A_50, %swap3A_51], %broadcast_in_dim3A_10 {strides = array<i32>} : memref<256x21xi32, #tpu.memory_space<vmem>>, vector<16xi32>,
    }
    %scan3A_19 = arith.constant 256 : i32
    %add3A_20 = arith.constant 0 : i32
    %add3A_21 = arith.addi %mul3A_2, %add3A_20 : i32
    %dma_start3A = tpu.memref_slice %arg2[%add3A_21] : memref<2097152xf32, #tpu.memory_space<hbm>> -> memref<256xf32, #tpu.memory_space<hbm>>
    %dma_start3A_22 = tpu.memref_slice %arg2[%add3A_21] : memref<2097152xf32, #tpu.memory_space<hbm>> -> memref<256xf32, #tpu.memory_space<hbm>>
    tpu.enqueue_dma source(%dma_start3A_22 : memref<256xf32, #tpu.memory_space<hbm>>) target(%arg6 : memref<256xf32, #tpu.memory_space<vmem>>) target_semaphore(%arg14 : memref<!tpu.dma_semaphore, #tpu.memory_space<semaphore_mem>>)
    %add3A_23 = arith.constant 256 : i32
    %add3A_24 = arith.addi %mul3A_2, %add3A_23 : i32
    %dma_start3A_25 = tpu.memref_slice %arg2[%add3A_24] : memref<2097152xf32, #tpu.memory_space<hbm>> -> memref<256xf32, #tpu.memory_space<hbm>>
    %dma_start3A_26 = tpu.memref_slice %arg2[%add3A_24] : memref<2097152xf32, #tpu.memory_space<hbm>> -> memref<256xf32, #tpu.memory_space<hbm>>
    tpu.enqueue_dma source(%dma_start3A_26 : memref<256xf32, #tpu.memory_space<hbm>>) target(%arg7 : memref<256xf32, #tpu.memory_space<vmem>>) target_semaphore(%arg15 : memref<!tpu.dma_semaphore, #tpu.memory_space<semaphore_mem>>)
    %scan3A_27 = arith.constant 0 : i32
    %scan3A_28 = arith.constant 128 : i32
    %scan3A_29 = arith.addi %scan3A_27, %scan3A_28 : i32
    %scan3A_30 = arith.constant 1 : i32
    scf.for %scan3A_43 = %scan3A_27 to %scan3A_29 step %scan3A_30  : i32 {
      %mul3A_44 = arith.constant 2 : i32
      %mul3A_45 = arith.muli %scan3A_43, %mul3A_44 : i32
      %add3A_46 = arith.constant 0 : i32
      %add3A_47 = arith.addi %add3A_46, %mul3A_45 : i32
      %add3A_48 = arith.constant 0 : i32
      %add3A_49 = arith.addi %add3A_47, %add3A_48 : i32
      %ge3A = arith.constant 2 : i32
      %ge3A_50 = arith.cmpi sge, %add3A_49, %ge3A : i32
      %convert_element_type3A = arith.extui %ge3A_50 : i1 to i32
      %cond3A = arith.constant 0 : i32
      %cond3A_51 = arith.cmpi ne, %convert_element_type3A, %cond3A : i32
      scf.if %cond3A_51 {
        %sub3A_106 = arith.constant 2 : i32
        %sub3A_107 = arith.subi %add3A_49, %sub3A_106 : i32
        %mul3A_108 = arith.constant 256 : i32
        %mul3A_109 = arith.muli %sub3A_107, %mul3A_108 : i32
        %add3A_110 = arith.addi %mul3A_2, %mul3A_109 : i32
        %dma_wait3A_111 = arith.constant 0 : i32
        %dma_wait3A_112 = tpu.memref_slice %arg5[%add3A_110, %dma_wait3A_111] : memref<2097152x21xi32, #tpu.memory_space<hbm>> -> memref<256x21xi32, #tpu.memory_space<hbm>>
        %dma_wait3A_113 = arith.constant 0 : i32
        %dma_wait3A_114 = tpu.memref_slice %arg5[%add3A_110, %dma_wait3A_113] : memref<2097152x21xi32, #tpu.memory_space<hbm>> -> memref<256x21xi32, #tpu.memory_space<hbm>>
        tpu.wait_dma2 semaphore(%arg16 : memref<!tpu.dma_semaphore, #tpu.memory_space<semaphore_mem>>) src(%arg8 : memref<256x21xi32, #tpu.memory_space<vmem>>) dst(%dma_wait3A_114 : memref<256x21xi32, #tpu.memory_space<hbm>>)
        %scan3A_115 = arith.constant 0 : i32
        %scan3A_116 = arith.constant 16 : i32
        %scan3A_117 = arith.addi %scan3A_115, %scan3A_116 : i32
        %scan3A_118 = arith.constant 1 : i32
        scf.for %scan3A_120 = %scan3A_115 to %scan3A_117 step %scan3A_118  : i32 {
          %mul3A_121 = arith.constant 1 : i32
          %mul3A_122 = arith.muli %scan3A_120, %mul3A_121 : i32
          %add3A_123 = arith.constant 0 : i32
          %add3A_124 = arith.addi %add3A_123, %mul3A_122 : i32
          %mul3A_125 = arith.constant 16 : i32
          %mul3A_126 = arith.muli %add3A_124, %mul3A_125 : i32
          %get3A_127 = arith.index_cast %mul3A_126 : i32 to index
          %get3A_128 = tpu.vector_load %arg10[%get3A_127] {strides = array<i32>} : memref<256xi32, #tpu.memory_space<vmem>>, vector<16xi32>,
          %mul3A_129 = arith.constant 16 : i32
          %mul3A_130 = arith.muli %add3A_124, %mul3A_129 : i32
          %add3A_131 = vector.broadcast %mul3A_130 : i32 to vector<16xi32>
          %add3A_132 = arith.addi %iota3A, %add3A_131 : vector<16xi32>
          tpu.vector_store_idx %arg8[%add3A_132, %get3A_128], %broadcast_in_dim3A_10 : memref<256x21xi32, #tpu.memory_space<vmem>>[vector<16xi32>, vector<16xi32>], vector<16xi32>,
        }
        %scan3A_119 = arith.constant 16 : i32
      } else {
      }
      %mul3A_52 = arith.constant 256 : i32
      %mul3A_53 = arith.muli %add3A_49, %mul3A_52 : i32
      %add3A_54 = arith.addi %mul3A_2, %mul3A_53 : i32
      %dma_wait3A_55 = tpu.memref_slice %arg2[%add3A_54] : memref<2097152xf32, #tpu.memory_space<hbm>> -> memref<256xf32, #tpu.memory_space<hbm>>
      %dma_wait3A_56 = tpu.memref_slice %arg2[%add3A_54] : memref<2097152xf32, #tpu.memory_space<hbm>> -> memref<256xf32, #tpu.memory_space<hbm>>
      tpu.wait_dma2 semaphore(%arg14 : memref<!tpu.dma_semaphore, #tpu.memory_space<semaphore_mem>>) src(%dma_wait3A_56 : memref<256xf32, #tpu.memory_space<hbm>>) dst(%arg6 : memref<256xf32, #tpu.memory_space<vmem>>)
      %scan3A_57 = arith.constant 0 : i32
      %scan3A_58 = arith.constant 16 : i32
      %scan3A_59 = arith.addi %scan3A_57, %scan3A_58 : i32
      %scan3A_60 = arith.constant 1 : i32
      scf.for %scan3A_106 = %scan3A_57 to %scan3A_59 step %scan3A_60  : i32 {
        %mul3A_107 = arith.constant 1 : i32
        %mul3A_108 = arith.muli %scan3A_106, %mul3A_107 : i32
        %add3A_109 = arith.constant 0 : i32
        %add3A_110 = arith.addi %add3A_109, %mul3A_108 : i32
        %mul3A_111 = arith.constant 16 : i32
        %mul3A_112 = arith.muli %add3A_110, %mul3A_111 : i32
        %get3A_113 = arith.index_cast %mul3A_112 : i32 to index
        %get3A_114 = tpu.vector_load %arg6[%get3A_113] {strides = array<i32>} : memref<256xf32, #tpu.memory_space<vmem>>, vector<16xf32>,
        %sub3A_115 = arith.subf %get3A_114, %get3A_3 : vector<16xf32>
        %mul3A_116 = arith.mulf %sub3A_115, %div3A_7 : vector<16xf32>
        %convert_element_type3A_117 = arith.fptosi %mul3A_116 : vector<16xf32> to vector<16xi32>
        %add3A_118 = arith.constant 1 : i32
        %add3A_119 = vector.broadcast %add3A_118 : i32 to vector<16xi32>
        %add3A_120 = arith.addi %convert_element_type3A_117, %add3A_119 : vector<16xi32>
        %min3A = arith.constant 19 : i32
        %min3A_121 = vector.broadcast %min3A : i32 to vector<16xi32>
        %min3A_122 = arith.minsi %add3A_120, %min3A_121 : vector<16xi32>
        %mul3A_123 = arith.constant 16 : i32
        %mul3A_124 = arith.muli %add3A_110, %mul3A_123 : i32
        %add3A_125 = vector.broadcast %mul3A_124 : i32 to vector<16xi32>
        %add3A_126 = arith.addi %iota3A, %add3A_125 : vector<16xi32>
        tpu.vector_store_idx %arg8[%add3A_126, %min3A_122], %broadcast_in_dim3A_8 : memref<256x21xi32, #tpu.memory_space<vmem>>[vector<16xi32>, vector<16xi32>], vector<16xi32>,
        %mul3A_127 = arith.constant 16 : i32
        %mul3A_128 = arith.muli %add3A_110, %mul3A_127 : i32
        %swap3A = arith.index_cast %mul3A_128 : i32 to index
        %swap3A_129 = tpu.vector_load %arg10[%swap3A] {strides = array<i32>} : memref<256xi32, #tpu.memory_space<vmem>>, vector<16xi32>,
        tpu.vector_store %arg10[%swap3A], %min3A_122 {strides = array<i32>} : memref<256xi32, #tpu.memory_space<vmem>>, vector<16xi32>,
      }
      %scan3A_61 = arith.constant 16 : i32
      %add3A_62 = arith.constant 2 : i32
      %add3A_63 = arith.addi %add3A_49, %add3A_62 : i32
      %lt3A = arith.constant 256 : i32
      %lt3A_64 = arith.cmpi slt, %add3A_63, %lt3A : i32
      %convert_element_type3A_65 = arith.extui %lt3A_64 : i1 to i32
      %cond3A_66 = arith.constant 0 : i32
      %cond3A_67 = arith.cmpi ne, %convert_element_type3A_65, %cond3A_66 : i32
      scf.if %cond3A_67 {
        %add3A_106 = arith.constant 2 : i32
        %add3A_107 = arith.addi %add3A_49, %add3A_106 : i32
        %mul3A_108 = arith.constant 256 : i32
        %mul3A_109 = arith.muli %add3A_107, %mul3A_108 : i32
        %add3A_110 = arith.addi %mul3A_2, %mul3A_109 : i32
        %dma_start3A_111 = tpu.memref_slice %arg2[%add3A_110] : memref<2097152xf32, #tpu.memory_space<hbm>> -> memref<256xf32, #tpu.memory_space<hbm>>
        %dma_start3A_112 = tpu.memref_slice %arg2[%add3A_110] : memref<2097152xf32, #tpu.memory_space<hbm>> -> memref<256xf32, #tpu.memory_space<hbm>>
        tpu.enqueue_dma source(%dma_start3A_112 : memref<256xf32, #tpu.memory_space<hbm>>) target(%arg6 : memref<256xf32, #tpu.memory_space<vmem>>) target_semaphore(%arg14 : memref<!tpu.dma_semaphore, #tpu.memory_space<semaphore_mem>>)
      } else {
      }
      %mul3A_68 = arith.constant 256 : i32
      %mul3A_69 = arith.muli %add3A_49, %mul3A_68 : i32
      %add3A_70 = arith.addi %mul3A_2, %mul3A_69 : i32
      %dma_start3A_71 = arith.constant 0 : i32
      %dma_start3A_72 = tpu.memref_slice %arg5[%add3A_70, %dma_start3A_71] : memref<2097152x21xi32, #tpu.memory_space<hbm>> -> memref<256x21xi32, #tpu.memory_space<hbm>>
      %dma_start3A_73 = arith.constant 0 : i32
      %dma_start3A_74 = tpu.memref_slice %arg5[%add3A_70, %dma_start3A_73] : memref<2097152x21xi32, #tpu.memory_space<hbm>> -> memref<256x21xi32, #tpu.memory_space<hbm>>
      tpu.enqueue_dma source(%arg8 : memref<256x21xi32, #tpu.memory_space<vmem>>) target(%dma_start3A_74 : memref<256x21xi32, #tpu.memory_space<hbm>>) target_semaphore(%arg16 : memref<!tpu.dma_semaphore, #tpu.memory_space<semaphore_mem>>)
      %add3A_75 = arith.constant 1 : i32
      %add3A_76 = arith.addi %add3A_47, %add3A_75 : i32
      %ge3A_77 = arith.constant 2 : i32
      %ge3A_78 = arith.cmpi sge, %add3A_76, %ge3A_77 : i32
      %convert_element_type3A_79 = arith.extui %ge3A_78 : i1 to i32
      %cond3A_80 = arith.constant 0 : i32
      %cond3A_81 = arith.cmpi ne, %convert_element_type3A_79, %cond3A_80 : i32
      scf.if %cond3A_81 {
        %sub3A_106 = arith.constant 2 : i32
        %sub3A_107 = arith.subi %add3A_76, %sub3A_106 : i32
        %mul3A_108 = arith.constant 256 : i32
        %mul3A_109 = arith.muli %sub3A_107, %mul3A_108 : i32
        %add3A_110 = arith.addi %mul3A_2, %mul3A_109 : i32
        %dma_wait3A_111 = arith.constant 0 : i32
        %dma_wait3A_112 = tpu.memref_slice %arg5[%add3A_110, %dma_wait3A_111] : memref<2097152x21xi32, #tpu.memory_space<hbm>> -> memref<256x21xi32, #tpu.memory_space<hbm>>
        %dma_wait3A_113 = arith.constant 0 : i32
        %dma_wait3A_114 = tpu.memref_slice %arg5[%add3A_110, %dma_wait3A_113] : memref<2097152x21xi32, #tpu.memory_space<hbm>> -> memref<256x21xi32, #tpu.memory_space<hbm>>
        tpu.wait_dma2 semaphore(%arg17 : memref<!tpu.dma_semaphore, #tpu.memory_space<semaphore_mem>>) src(%arg9 : memref<256x21xi32, #tpu.memory_space<vmem>>) dst(%dma_wait3A_114 : memref<256x21xi32, #tpu.memory_space<hbm>>)
        %scan3A_115 = arith.constant 0 : i32
        %scan3A_116 = arith.constant 16 : i32
        %scan3A_117 = arith.addi %scan3A_115, %scan3A_116 : i32
        %scan3A_118 = arith.constant 1 : i32
        scf.for %scan3A_120 = %scan3A_115 to %scan3A_117 step %scan3A_118  : i32 {
          %mul3A_121 = arith.constant 1 : i32
          %mul3A_122 = arith.muli %scan3A_120, %mul3A_121 : i32
          %add3A_123 = arith.constant 0 : i32
          %add3A_124 = arith.addi %add3A_123, %mul3A_122 : i32
          %mul3A_125 = arith.constant 16 : i32
          %mul3A_126 = arith.muli %add3A_124, %mul3A_125 : i32
          %get3A_127 = arith.index_cast %mul3A_126 : i32 to index
          %get3A_128 = tpu.vector_load %arg11[%get3A_127] {strides = array<i32>} : memref<256xi32, #tpu.memory_space<vmem>>, vector<16xi32>,
          %mul3A_129 = arith.constant 16 : i32
          %mul3A_130 = arith.muli %add3A_124, %mul3A_129 : i32
          %add3A_131 = vector.broadcast %mul3A_130 : i32 to vector<16xi32>
          %add3A_132 = arith.addi %iota3A, %add3A_131 : vector<16xi32>
          tpu.vector_store_idx %arg9[%add3A_132, %get3A_128], %broadcast_in_dim3A_10 : memref<256x21xi32, #tpu.memory_space<vmem>>[vector<16xi32>, vector<16xi32>], vector<16xi32>,
        }
        %scan3A_119 = arith.constant 16 : i32
      } else {
      }
      %mul3A_82 = arith.constant 256 : i32
      %mul3A_83 = arith.muli %add3A_76, %mul3A_82 : i32
      %add3A_84 = arith.addi %mul3A_2, %mul3A_83 : i32
      %dma_wait3A_85 = tpu.memref_slice %arg2[%add3A_84] : memref<2097152xf32, #tpu.memory_space<hbm>> -> memref<256xf32, #tpu.memory_space<hbm>>
      %dma_wait3A_86 = tpu.memref_slice %arg2[%add3A_84] : memref<2097152xf32, #tpu.memory_space<hbm>> -> memref<256xf32, #tpu.memory_space<hbm>>
      tpu.wait_dma2 semaphore(%arg15 : memref<!tpu.dma_semaphore, #tpu.memory_space<semaphore_mem>>) src(%dma_wait3A_86 : memref<256xf32, #tpu.memory_space<hbm>>) dst(%arg7 : memref<256xf32, #tpu.memory_space<vmem>>)
      %scan3A_87 = arith.constant 0 : i32
      %scan3A_88 = arith.constant 16 : i32
      %scan3A_89 = arith.addi %scan3A_87, %scan3A_88 : i32
      %scan3A_90 = arith.constant 1 : i32
      scf.for %scan3A_106 = %scan3A_87 to %scan3A_89 step %scan3A_90  : i32 {
        %mul3A_107 = arith.constant 1 : i32
        %mul3A_108 = arith.muli %scan3A_106, %mul3A_107 : i32
        %add3A_109 = arith.constant 0 : i32
        %add3A_110 = arith.addi %add3A_109, %mul3A_108 : i32
        %mul3A_111 = arith.constant 16 : i32
        %mul3A_112 = arith.muli %add3A_110, %mul3A_111 : i32
        %get3A_113 = arith.index_cast %mul3A_112 : i32 to index
        %get3A_114 = tpu.vector_load %arg7[%get3A_113] {strides = array<i32>} : memref<256xf32, #tpu.memory_space<vmem>>, vector<16xf32>,
        %sub3A_115 = arith.subf %get3A_114, %get3A_3 : vector<16xf32>
        %mul3A_116 = arith.mulf %sub3A_115, %div3A_7 : vector<16xf32>
        %convert_element_type3A_117 = arith.fptosi %mul3A_116 : vector<16xf32> to vector<16xi32>
        %add3A_118 = arith.constant 1 : i32
        %add3A_119 = vector.broadcast %add3A_118 : i32 to vector<16xi32>
        %add3A_120 = arith.addi %convert_element_type3A_117, %add3A_119 : vector<16xi32>
        %min3A = arith.constant 19 : i32
        %min3A_121 = vector.broadcast %min3A : i32 to vector<16xi32>
        %min3A_122 = arith.minsi %add3A_120, %min3A_121 : vector<16xi32>
        %mul3A_123 = arith.constant 16 : i32
        %mul3A_124 = arith.muli %add3A_110, %mul3A_123 : i32
        %add3A_125 = vector.broadcast %mul3A_124 : i32 to vector<16xi32>
        %add3A_126 = arith.addi %iota3A, %add3A_125 : vector<16xi32>
        tpu.vector_store_idx %arg9[%add3A_126, %min3A_122], %broadcast_in_dim3A_8 : memref<256x21xi32, #tpu.memory_space<vmem>>[vector<16xi32>, vector<16xi32>], vector<16xi32>,
        %mul3A_127 = arith.constant 16 : i32
        %mul3A_128 = arith.muli %add3A_110, %mul3A_127 : i32
        %swap3A = arith.index_cast %mul3A_128 : i32 to index
        %swap3A_129 = tpu.vector_load %arg11[%swap3A] {strides = array<i32>} : memref<256xi32, #tpu.memory_space<vmem>>, vector<16xi32>,
        tpu.vector_store %arg11[%swap3A], %min3A_122 {strides = array<i32>} : memref<256xi32, #tpu.memory_space<vmem>>, vector<16xi32>,
      }
      %scan3A_91 = arith.constant 16 : i32
      %add3A_92 = arith.constant 2 : i32
      %add3A_93 = arith.addi %add3A_76, %add3A_92 : i32
      %lt3A_94 = arith.constant 256 : i32
      %lt3A_95 = arith.cmpi slt, %add3A_93, %lt3A_94 : i32
      %convert_element_type3A_96 = arith.extui %lt3A_95 : i1 to i32
      %cond3A_97 = arith.constant 0 : i32
      %cond3A_98 = arith.cmpi ne, %convert_element_type3A_96, %cond3A_97 : i32
      scf.if %cond3A_98 {
        %add3A_106 = arith.constant 2 : i32
        %add3A_107 = arith.addi %add3A_76, %add3A_106 : i32
        %mul3A_108 = arith.constant 256 : i32
        %mul3A_109 = arith.muli %add3A_107, %mul3A_108 : i32
        %add3A_110 = arith.addi %mul3A_2, %mul3A_109 : i32
        %dma_start3A_111 = tpu.memref_slice %arg2[%add3A_110] : memref<2097152xf32, #tpu.memory_space<hbm>> -> memref<256xf32, #tpu.memory_space<hbm>>
        %dma_start3A_112 = tpu.memref_slice %arg2[%add3A_110] : memref<2097152xf32, #tpu.memory_space<hbm>> -> memref<256xf32, #tpu.memory_space<hbm>>
        tpu.enqueue_dma source(%dma_start3A_112 : memref<256xf32, #tpu.memory_space<hbm>>) target(%arg7 : memref<256xf32, #tpu.memory_space<vmem>>) target_semaphore(%arg15 : memref<!tpu.dma_semaphore, #tpu.memory_space<semaphore_mem>>)
      } else {
      }
      %mul3A_99 = arith.constant 256 : i32
      %mul3A_100 = arith.muli %add3A_76, %mul3A_99 : i32
      %add3A_101 = arith.addi %mul3A_2, %mul3A_100 : i32
      %dma_start3A_102 = arith.constant 0 : i32
      %dma_start3A_103 = tpu.memref_slice %arg5[%add3A_101, %dma_start3A_102] : memref<2097152x21xi32, #tpu.memory_space<hbm>> -> memref<256x21xi32, #tpu.memory_space<hbm>>
      %dma_start3A_104 = arith.constant 0 : i32
      %dma_start3A_105 = tpu.memref_slice %arg5[%add3A_101, %dma_start3A_104] : memref<2097152x21xi32, #tpu.memory_space<hbm>> -> memref<256x21xi32, #tpu.memory_space<hbm>>
      tpu.enqueue_dma source(%arg9 : memref<256x21xi32, #tpu.memory_space<vmem>>) target(%dma_start3A_105 : memref<256x21xi32, #tpu.memory_space<hbm>>) target_semaphore(%arg17 : memref<!tpu.dma_semaphore, #tpu.memory_space<semaphore_mem>>)
    }
    %scan3A_31 = arith.constant 128 : i32
    %add3A_32 = arith.constant 65024 : i32
    %add3A_33 = arith.addi %mul3A_2, %add3A_32 : i32
    %dma_wait3A = arith.constant 0 : i32
    %dma_wait3A_34 = tpu.memref_slice %arg5[%add3A_33, %dma_wait3A] : memref<2097152x21xi32, #tpu.memory_space<hbm>> -> memref<256x21xi32, #tpu.memory_space<hbm>>
    %dma_wait3A_35 = arith.constant 0 : i32
    %dma_wait3A_36 = tpu.memref_slice %arg5[%add3A_33, %dma_wait3A_35] : memref<2097152x21xi32, #tpu.memory_space<hbm>> -> memref<256x21xi32, #tpu.memory_space<hbm>>
    tpu.wait_dma2 semaphore(%arg16 : memref<!tpu.dma_semaphore, #tpu.memory_space<semaphore_mem>>) src(%arg8 : memref<256x21xi32, #tpu.memory_space<vmem>>) dst(%dma_wait3A_36 : memref<256x21xi32, #tpu.memory_space<hbm>>)
    %add3A_37 = arith.constant 65280 : i32
    %add3A_38 = arith.addi %mul3A_2, %add3A_37 : i32
    %dma_wait3A_39 = arith.constant 0 : i32
    %dma_wait3A_40 = tpu.memref_slice %arg5[%add3A_38, %dma_wait3A_39] : memref<2097152x21xi32, #tpu.memory_space<hbm>> -> memref<256x21xi32, #tpu.memory_space<hbm>>
    %dma_wait3A_41 = arith.constant 0 : i32
    %dma_wait3A_42 = tpu.memref_slice %arg5[%add3A_38, %dma_wait3A_41] : memref<2097152x21xi32, #tpu.memory_space<hbm>> -> memref<256x21xi32, #tpu.memory_space<hbm>>
    tpu.wait_dma2 semaphore(%arg17 : memref<!tpu.dma_semaphore, #tpu.memory_space<semaphore_mem>>) src(%arg9 : memref<256x21xi32, #tpu.memory_space<vmem>>) dst(%dma_wait3A_42 : memref<256x21xi32, #tpu.memory_space<hbm>>)
    return
  }
}

module attributes {stable_mosaic.version = 14 : i64} {
  func.func @_minmax_tc_kernel(%arg0: memref<2048x1024xf32, #tpu.memory_space<vmem>>, %arg1: memref<16xf32, #tpu.memory_space<vmem>>, %arg2: memref<16xf32, #tpu.memory_space<vmem>>) attributes {dimension_semantics = [], scalar_prefetch = 0 : i64, scratch_operands = 0 : i64, tpu.core_type = #tpu.core_type<tc>} {
    %get3A = arith.constant 0 : index
    %get3A_0 = arith.constant 0 : index
    %get3A_1 = vector.load %arg0[%get3A, %get3A_0] : memref<2048x1024xf32, #tpu.memory_space<vmem>>, vector<2048x1024xf32>
    %reduce_min3A = vector.shape_cast %get3A_1 : vector<2048x1024xf32> to vector<1x2048x1024xf32>
    %reduce_min3A_2 = arith.constant dense<0x7F800000> : vector<1xf32>
    %reduce_min3A_3 = vector.multi_reduction <minimumf>, %reduce_min3A, %reduce_min3A_2 [1, 2] : vector<1x2048x1024xf32> to vector<1xf32>
    %reduce_min3A_4 = vector.shape_cast %reduce_min3A_3 : vector<1xf32> to vector<1x1x1xf32>
    %reduce_min3A_5 = vector.extract %reduce_min3A_4[0, 0, 0] : f32 from vector<1x1x1xf32>
    %broadcast_in_dim3A = vector.broadcast %reduce_min3A_5 : f32 to vector<16xf32>
    %swap3A = arith.constant 0 : index
    %swap3A_6 = vector.load %arg1[%swap3A] : memref<16xf32, #tpu.memory_space<vmem>>, vector<16xf32>
    tpu.vector_store %arg1[%swap3A], %broadcast_in_dim3A {strides = array<i32>} : memref<16xf32, #tpu.memory_space<vmem>>, vector<16xf32>,
    %get3A_7 = arith.constant 0 : index
    %get3A_8 = arith.constant 0 : index
    %get3A_9 = vector.load %arg0[%get3A_7, %get3A_8] : memref<2048x1024xf32, #tpu.memory_space<vmem>>, vector<2048x1024xf32>
    %reduce_max3A = vector.shape_cast %get3A_9 : vector<2048x1024xf32> to vector<1x2048x1024xf32>
    %reduce_max3A_10 = arith.constant dense<0xFF800000> : vector<1xf32>
    %reduce_max3A_11 = vector.multi_reduction <maximumf>, %reduce_max3A, %reduce_max3A_10 [1, 2] : vector<1x2048x1024xf32> to vector<1xf32>
    %reduce_max3A_12 = vector.shape_cast %reduce_max3A_11 : vector<1xf32> to vector<1x1x1xf32>
    %reduce_max3A_13 = vector.extract %reduce_max3A_12[0, 0, 0] : f32 from vector<1x1x1xf32>
    %broadcast_in_dim3A_14 = vector.broadcast %reduce_max3A_13 : f32 to vector<16xf32>
    %swap3A_15 = arith.constant 0 : index
    %swap3A_16 = vector.load %arg2[%swap3A_15] : memref<16xf32, #tpu.memory_space<vmem>>, vector<16xf32>
    tpu.vector_store %arg2[%swap3A_15], %broadcast_in_dim3A_14 {strides = array<i32>} : memref<16xf32, #tpu.memory_space<vmem>>, vector<16xf32>,
    return
  }
}

</mosaic_0001>

<sc_bundles>
// kernel: kernel.4.cloned.1.call-start
scs
__scs_entry_jumppad:
0x0: {  	(pc) =	sbr.rel $0x88, $3  }
0x1: {  	(tag) =	ssettag $0x0;
	lr =	simm.s32 $0x1  }
0x2: {  	[smem:$0x3FA0] =	sst lr;
	_ =	strace $0xD0000000  }
0x3: {  	_ = 	snop  }
0x4: {  	_ = 	snop  }
0x5: {  	_ = 	snop  }
0x6: {  	_ = 	snop  }
0x7: {  	_ = 	snop  }
__scs_overlays_trampoline_lowered:
0x8: {  	[smem:$0x3FAF] =	sst s0  }
0x9: {  	[smem:$0x3FB0] =	sst s1  }
0xa: {  	[smem:$0x3FB1] =	sst s2  }
0xb: {  	[smem:$0x3FB2] =	sst s3  }
0xc: {  	[smem:$0x3FB3] =	sst s4  }
0xd: {  	[smem:$0x3FB4] =	sst s5  }
0xe: {  	[smem:$0x3FB5] =	sst s6  }
0xf: {  	[smem:$0x3FB6] =	sst s7  }
0x10: {  	[smem:$0x3FB7] =	sst s8  }
0x11: {  	[smem:$0x3FB8] =	sst s9;
	s0 =	simm.s32 @!p0 $0x0  }
0x12: {  	s1 =	sld [smem:$0x3F9E];
	s0 =	simm.s32 @p0 $0x1  }
0x13: {  	[smem:$0x3FB9] =	sst s0;
	s0 =	simm.s32 @!p1 $0x0  }
0x14: {  	s2 =	sld [smem:$0x3F9D];
	s0 =	simm.s32 @p1 $0x1  }
0x15: {  	[smem:$0x3FBA] =	sst s0;
	s0 =	simm.s32 @!p2 $0x0  }
0x16: {  	s3 =	sld [smem:$0x3FDB];
	s0 =	simm.s32 @p2 $0x1  }
0x17: {  	s4 =	simm.s32 $0x1BF5;
	[smem:$0x3FBC] =	sst s0  }
0x18: {  	s0 =	sld [smem:$0x3F9F];
	_ =	swait.ge [sflag:s4], $0x0  }
0x19: {  	s7 =	sld [smem:$0x3FA0]  }
0x1a: {  	s8 =	sadd.s32 $0xFFFFE003, lr  }
0x1b: {  	s9 =	sadd.s32 $0xFFFFFEF7, lr;
	s5 =	simm.s32 $0xFFFFFFFF;
	p2 =	slt.u32 s8, $0xFFFFF086  }
0x1c: {  	p1 =	slt.u32 s9, $0xF7A;
	s5 =	simm.s32 @!p2 $0x0  }
0x1d: {  	s5 =	simm.s32 @p1 $0x1;
	p0 =	seq.s32 s7, s2  }
0x1e: {  	s7 =	smul.u32 @!p0 $0xF7A, s2;
	p2 =	seq.s32 @!p0 s5, $0x0  }
0x1f: {  	s9 =	smul.u32 $0xF7A, s1;
	s8 =	simm.s32 @!p0 $0x1BF5;
	p2 =	por !p2, p0  }
0x20: {  	[sflag:s8] =	ssyncset.s32 @!p0 $0xFFFFF086;
	s6 =	sadd.s32 @!p0 s3, s7;
	s7 =	simm.s32 @!p0 $0x108  }
0x21: {  	s3 =	sadd.s32 s3, s9;
	s6 =	sadd.s32 @!p0 $0x88, s6;
	s7 =	simm.s32 @p2 $0x1082  }
0x22: {  	[simem:s7], [sflag:s8] =	dma.local @!p0 [hbm:s6], $0xF7A  }
0x23: {  	s9 =	sor.u32 $0xD0000000, s2;
	s6 =	simm.s32 $0x108;
	_ =	swait.ge @!p0 [sflag:s8], $0x0  }
0x24: {  	s3 =	sadd.s32 $0x88, s3;
	s6 =	simm.s32 @!p1 $0x1082;
	[sflag:s4] =	ssyncset.s32 $0xFFFFF086  }
0x25: {  	[simem:s6], [sflag:s4] =	dma.local [hbm:s3], $0xF7A  }
0x26: {  	[smem:$0x3FA0] =	sst s1;
	(tag) =	ssettag s2;
	_ =	strace s9  }
0x27: {  	s1 =	sld [smem:$0x3FB0]  }
0x28: {  	s2 =	sld [smem:$0x3FB1]  }
0x29: {  	s4 =	sld [smem:$0x3FB3]  }
0x2a: {  	p0 =	seq.s32 s5, $0x0;
	s5 =	sld [smem:$0x3FB4]  }
0x2b: {  	s6 =	sld [smem:$0x3FB5]  }
0x2c: {  	s7 =	sld [smem:$0x3FB6]  }
0x2d: {  	s3 =	simm.s32 $0x108;
	s8 =	sld [smem:$0x3FB7]  }
0x2e: {  	s3 =	simm.s32 @!p0 $0x1082;
	s9 =	sld [smem:$0x3FB8]  }
0x2f: {  	lr =	sadd.s32 s0, s3;
	s0 =	sld [smem:$0x3FAF]  }
0x30: {  	s3 =	sld [smem:$0x3FB2]  }
0x31: {  	[smem:$0x3FBB] =	sst s10  }
0x32: {  	s10 =	sld [smem:$0x3FB9];
	_ =	sdelay $0x3  }
0x33: {  	p0 =	seq.s32 s10, $0x1;
	s10 =	sld [smem:$0x3FBB];
	_ =	sdelay $0x3  }
0x34: {  	[smem:$0x3FBB] =	sst s10  }
0x35: {  	s10 =	sld [smem:$0x3FBA];
	_ =	sdelay $0x3  }
0x36: {  	p1 =	seq.s32 s10, $0x1;
	s10 =	sld [smem:$0x3FBB];
	_ =	sdelay $0x3  }
0x37: {  	[smem:$0x3FBB] =	sst s10  }
0x38: {  	s10 =	sld [smem:$0x3FBC]  }
0x39: {  	_ = 	snop;
	(pc) =	sbr.ind lr, $3  }
0x3a: {  	_ = 	snop  }
0x3b: {  	_ = 	snop  }
0x3c: {  	p2 =	seq.s32 s10, $0x1;
	s10 =	sld [smem:$0x3FBB]  }
0x3d: {  	_ =	shalt  }
0x3e: {  	_ =	shalt  }
0x3f: {  	_ =	shalt  }
0x40: {  	_ =	shalt  }
0x41: {  	_ =	shalt  }
0x42: {  	_ =	shalt  }
0x43: {  	_ =	shalt  }
0x44: {  	_ =	shalt  }
0x45: {  	_ =	shalt  }
0x46: {  	_ =	shalt  }
0x47: {  	_ =	shalt  }
0x48: {  	_ =	shalt  }
0x49: {  	_ =	shalt  }
0x4a: {  	_ =	shalt  }
0x4b: {  	_ =	shalt  }
0x4c: {  	_ =	shalt  }
0x4d: {  	_ =	shalt  }
0x4e: {  	_ =	shalt  }
0x4f: {  	_ =	shalt  }
0x50: {  	_ =	shalt  }
0x51: {  	_ =	shalt  }
0x52: {  	_ =	shalt  }
0x53: {  	_ =	shalt  }
0x54: {  	_ =	shalt  }
0x55: {  	_ =	shalt  }
0x56: {  	_ =	shalt  }
0x57: {  	_ =	shalt  }
0x58: {  	_ =	shalt  }
0x59: {  	_ =	shalt  }
0x5a: {  	_ =	shalt  }
0x5b: {  	_ =	shalt  }
0x5c: {  	_ =	shalt  }
0x5d: {  	_ =	shalt  }
0x5e: {  	_ =	shalt  }
0x5f: {  	_ =	shalt  }
0x60: {  	_ =	shalt  }
0x61: {  	_ =	shalt  }
0x62: {  	_ =	shalt  }
0x63: {  	_ =	shalt  }
0x64: {  	_ =	shalt  }
0x65: {  	_ =	shalt  }
0x66: {  	_ =	shalt  }
0x67: {  	_ =	shalt  }
0x68: {  	_ =	shalt  }
0x69: {  	_ =	shalt  }
0x6a: {  	_ =	shalt  }
0x6b: {  	_ =	shalt  }
0x6c: {  	_ =	shalt  }
0x6d: {  	_ =	shalt  }
0x6e: {  	_ =	shalt  }
0x6f: {  	_ =	shalt  }
0x70: {  	_ =	shalt  }
0x71: {  	_ =	shalt  }
0x72: {  	_ =	shalt  }
0x73: {  	_ =	shalt  }
0x74: {  	_ =	shalt  }
0x75: {  	_ =	shalt  }
0x76: {  	_ =	shalt  }
0x77: {  	_ =	shalt  }
0x78: {  	_ =	shalt  }
0x79: {  	_ =	shalt  }
0x7a: {  	_ =	shalt  }
0x7b: {  	_ =	shalt  }
0x7c: {  	_ =	shalt  }
0x7d: {  	_ =	shalt  }
0x7e: {  	_ =	shalt  }
0x7f: {  	_ =	shalt  }
0x80: {  	_ =	shalt  }
0x81: {  	_ =	shalt  }
0x82: {  	_ =	shalt  }
0x83: {  	_ =	shalt  }
0x84: {  	_ =	shalt  }
0x85: {  	_ =	shalt  }
0x86: {  	_ =	shalt  }
0x87: {  	_ =	shalt  }
.Lfunc_end0:
.L_simem_size_0:
called_computation_lowered:
.L_overlay_start_0:
0x88: {  	s2 =	sld [smem:$0x3FD9]  }
0x89: {  	s3 =	sld [smem:$0x3FFE];
	_ =	sdelay $0x1  }
0x8a: {  	s1 =	srdreg.scid  }
0x8b: {  	s0 =	sand.u32 $0x1, s1  }
0x8c: {  	s17 =	sshll.u32 s0, $0xA;
	s2 =	sadd.s32 s3, s2  }
0x8d: {  	s2 =	sadd.s32 s2, s17  }
0x8e: {  	[smem:$0x3FC7] =	sst s2  }
0x8f: {  	_ = 	snop  }
0x90: {  	s2 =	sld [smem:$0x3FC9]  }
0x91: {  	s18 =	sld [smem:$0x3FD0];
	(tm) =	ssettm $0x1  }
0x92: {  	s4 =	sld [smem:$0x3FFB];
	_ =	sdelay $0x3  }
0x93: {  	_ =	strace s4  }
0x94: {  	s4 =	sld [smem:$0x3FFC];
	_ =	sdelay $0x3  }
0x95: {  	_ =	strace s4  }
0x96: {  	s4 =	sld [smem:$0x3FFD];
	_ =	sdelay $0x3  }
0x97: {  	_ =	strace s4  }
0x98: {  	_ =	strace $0x8FFFFFFF  }
0x99: {  	s19 =	sld [smem:$0x3FDB];
	_ =	sdelay $0x1  }
0x9a: {  	s5 =	simm.s32 $_scs_section_size  }
0x9b: {  	s6 =	simm.s32 $_size__tile_overlayer_lowered;
	s7 =	simm.s32 $_tile_overlayer_lowered  }
0x9c: {  	s22 =	simm.s32 $0x1BFF;
	s21 =	sshll.u32 s7, $0x1;
	s4 =	sadd.s32 s5, s19  }
0x9d: {  	s8 =	simm.s32 $0x0;
	s20 =	sshll.u32 s6, $0x1;
	s6 =	sadd.s32 s21, s4  }
0x9e: {  	[timem:s8], [sflag:s22] =	dma.local [hbm:s6], s20  }
0x9f: {  	_ =	swait.ge [sflag:s22], s20  }
0xa0: {  	s5 =	ssub.s32 $0x0, s20;
	[sflag:s22] =	ssyncset.done $0x0  }
0xa1: {  	[sflag:s22] =	ssyncadd.s32 s5;
	_ =	sdelay $0x1  }
0xa2: {  	s23 =	simm.s32 $0x1B8B  }
0xa3: {  	_ =	swait.ge [sflag:s23], $0x1  }
0xa4: {  	[sflag:s23] =	ssyncset.done $0x0  }
0xa5: {  	s25 =	simm.s32 $0x1B8E;
	s24 =	sld [smem:$0x3FFE];
	[sflag:s23] =	ssyncadd.s32 $0xFFFFFFFF  }
0xa6: {  	s26 =	simm.s32 $execute0_lowered;
	[smem:$0x3FD2] =	sst s25  }
0xa7: {  	s6 =	sshll.u32 s26, $0x1;
	_ =	strace $0x80000046;
	[dreg:$0x1] =	wrdreg $0xFFFFFFFF  }
0xa8: {  	s28 =	simm.s32 $_size_execute0_lowered;
	s4 =	sadd.s32 s4, s6;
	[dreg:$0x0] =	wrdreg $0x0  }
0xa9: {  	s6 =	sshll.u32 s28, $0x1;
	[dreg:$0x2] =	wrdreg s4  }
0xaa: {  	[dreg:$0x3] =	wrdreg s6  }
0xab: {  	[dreg:$0x4] =	wrdreg $0xC0  }
0xac: {  	_ =	task [dreg:s8], $0x5FFFF  }
0xad: {  	[dreg:$0x1] =	wrdreg $0xFFFFFFFF  }
0xae: {  	[dreg:$0x0] =	wrdreg $0x60  }
0xaf: {  	[dreg:$0x2] =	wrdreg s2  }
0xb0: {  	[dreg:$0x3] =	wrdreg s18  }
0xb1: {  	[dreg:$0x4] =	wrdreg s24  }
0xb2: {  	[dreg:$0x5] =	wrdreg $0x9  }
0xb3: {  	_ =	task.clear_ibuf [dreg:s8], $0x6FFFF;
	_ =	strace $0x90000046  }
0xb4: {  	s29 =	simm.s32 $0x9;
	_ =	strace $0x80000048  }
0xb5: {  	_ =	swait.ge [sflag:s29], $0x1  }
0xb6: {  	[sflag:s29] =	ssyncadd.s32 $0xFFFFFFFF  }
0xb7: {  	_ =	strace $0x90000048  }
0xb8: {  	_ =	sfence  }
0xb9: {  	s30 =	sld [smem:$0x0];
	_ =	sdelay $0x2  }
0xba: {  	s31 =	sshll.u32 s1, $0xD;
	s1 =	sshrl.u32 s1, $0x2  }
0xbb: {  	s3 =	sand.u32 $0x4000, s31;
	s1 =	sadd.s32 s1, s30  }
0xbc: {  	s0 =	sor.u32 s3, s0;
	s1 =	sshll.u32 s1, $0x11  }
0xbd: {  	s0 =	sor.u32 s1, s0  }
0xbe: {  	s0 =	sadd.s32 $0x8F2B, s0  }
0xbf: {  	[sflag:s0] =	ssyncadd.remote.s32 $0x1  }
0xc0: {  	_ =	sfence.sel $0xFFFF  }
0xc1: {  	[dreg:$0x0] =	wrdreg $0xFFFFFFFF;
	(pc) =	sbr.abs _section_cstart, $3  }
0xc2: {  	[dreg:$0x1] =	wrdreg $0xFFFFFFFF  }
0xc3: {  	_ =	task.clear_ibuf [dreg:s8], $0x2FFFF;
	_ =	strace $0x9FFFFFFF  }
0xc4: {  	(tm) =	ssettm $0x7FFFFFFF  }
0xc5: {  	_ =	shalt  }
tec
execute0_lowered:
.L_overlay_start_1:
0x0: {  	(tag) =	ssettag $0x1  }
0x1: {  	s1 =	rddreg [dreg:$0x0]  }
0x2: {  	s2 =	rddreg [dreg:$0x1]  }
0x3: {  	s7 =	rddreg [dreg:$0x2]  }
0x4: {  	s0 =	rddreg [dreg:$0x3]  }
0x5: {  	s5 =	srdreg.scid;
	s4 =	simm.s32 $0x0;
	s3 =	stileid.u32  }
0x6: {  	s14 =	simm.s32 $0x10400;
	s15 =	simm.s32 $0x5;
	s16 =	simm.s32 $0x10480  }
0x7: {  	s17 =	simm.s32 $0x100;
	s18 =	simm.s32 $0x1;
	s19 =	simm.s32 $0x200  }
0x8: {  	s20 =	simm.s32 $0x2;
	s21 =	simm.s32 $0x8200;
	s22 =	simm.s32 $0x3  }
0x9: {  	s23 =	simm.s32 $0x4;
	s24 =	simm.s32 $0x0;
	s8 =	sand.u32 $0x1, s5  }
0xa: {  	[smem:$0x7FF] =	sst s4;
	s30 =	sshll.u32 s3, $0x11;
	s6 =	sshll.u32 s8, $0x10  }
0xb: {  	_ =	strace $0x80000047;
	s9 =	ssub.s32 $0x2, s8;
	s5 =	sor.u32 s6, s30  }
0xc: {  	s6 =	sadd.s32 $0xA00, s7;
	s7 =	sadd.s32 $0xC00, s7;
	s10 =	sshrl.u32 s9, $0x1  }
0xd: {  	s31 =	sshrl.u32 s5, $0x3;
	s13 =	ssub.s32 s9, s10;
	s11 =	sshll.u32 s5, $0x4  }
0xe: {  	v2 =	vlaneseq.u32;
	s10 =	sor.u32 $0x200, s5;
	s12 =	sor.u32 $0x300, s5;
	s8 =	sadd.s32 s1, s31  }
0xf: {  	v0 =	vimm.s32 $0x0;
	v1 =	vimm.s32 $0x1;
	v2 =	vmul.u32 $0x80, v2;
	s11 =	sadd.s32 s7, s11;
	s13 =	smax.u32 s13, $0x1;
	s9 =	sadd.s32 $0x20, s8  }
.LBB2_1:
0x10: {  	[tilespmem:s14], [sflag:$0x5] =	stream.linear.gather [hbm4b:s2+s4], $0x80, $0x38;
	[tilespmem:$0x10500] =	vst v63  }
0x11: {  	_ =	swait.ge [sflag:s15], $0x80  }
0x12: {  	[sflag:s15] =	ssyncset.done $0x0  }
0x13: {  	[sflag:s15] =	ssyncadd.s32 $0xFFFFFF80  }
0x14: {  	[tilespmem:s16], [sflag:$0x5] =	stream.linear.gather [hbm4b:s6+s4], $0x80, $0x38;
	[tilespmem:$0x10500] =	vst v63  }
0x15: {  	_ =	swait.ge [sflag:s15], $0x80  }
0x16: {  	[sflag:s15] =	ssyncset.done $0x0  }
0x17: {  	[sflag:s15] =	ssyncadd.s32 $0xFFFFFF80  }
0x18: {  	v3 =	vld [tilespmem:$0x10400]  }
0x19: {  	s25 =	simm.s32 $0x0;
	v4 =	vld [tilespmem:$0x10480]  }
.LBB2_2:
0x1a: {  	p0 =	sne.s32 s25, $0x1FE00  }
.Ltmp0:
0x1b: {  	_ = 	snop;
	(pc) =	sbr.rel @p0 .LBB2_2-.Ltmp0, $4  }
0x1c: {  	_ = 	snop  }
0x1d: {  	s26 =	sshra.s32 s25, $0x2  }
0x1e: {  	[tilespmem:s26+$0x200] =	vst v0  }
0x1f: {  	s25 =	sadd.s32 $0x200, s25;
	[tilespmem:s26+$0x205] =	vst v0  }
0x20: {  	s26 =	simm.s32 $0x0  }
0x21: {  	s25 =	simm.s32 $0x200;
	[tilespmem:s26+$0x8200] =	vst v0  }
.LBB2_4:
0x22: {  	p0 =	sne.s32 s25, $0x1FE00;
	[tilespmem:s26+$0x8205] =	vst v0;
	s26 =	smov.u32 s25;
	s25 =	sadd.s32 $0x200, s25  }
.Ltmp1:
0x23: {  	(pc) =	sbr.rel @p0 .LBB2_4-.Ltmp1, $3  }
0x24: {  	_ =	sdelay $0x1  }
0x25: {  	s26 =	sshra.s32 s26, $0x2  }
0x26: {  	[tilespmem:s26+$0x8200] =	vst v0  }
0x27: {  	v4 =	vsub.f32 v4, v3;
	_ =	sdelay $0x1  }
0x28: {  	(erf) = vrcp.f32 v4;
	_ =	sdelay $0x6  }
0x29: {  	[tilespmem:s26+$0x8205] =	vst v0;
	s25 =	simm.s32 $0x0  }
0x2a: {  	[tilespmem:s25], [sflag:$0x1] =	stream.linear.gather [hbm4b:s8+s25], $0x100, $0x38;
	[tilespmem:$0x10500] =	vst v63  }
0x2b: {  	v4 =	vpop (erf)  }
0x2c: {  	[tilespmem:s17], [sflag:$0x2] =	stream.linear.gather [hbm4b:s9+s25], $0x100, $0x38;
	v4 =	vmul.f32 $1.800000000e+01, v4;
	[tilespmem:$0x10500] =	vst v63  }
.LBB2_6:
0x2d: {  	p1 =	seq.s32 s25, $0x0  }
.Ltmp2:
0x2e: {  	_ = 	snop;
	(pc) =	sbr.rel @p1 .LBB2_10-.Ltmp2, $1  }
0x2f: {  	_ =	sdelay $0x3  }
0x30: {  	_ =	swait.ge [sflag:s22], $0x8000  }
0x31: {  	[sflag:s22] =	ssyncset.done $0x0  }
0x32: {  	s26 =	simm.s32 $0x10200;
	[sflag:s22] =	ssyncadd.s32 $0xFFFF8000  }
0x33: {  	s28 =	simm.s32 $0x0;
	s29 =	simm.s32 $0x10;
	v5 =	vld [tilespmem:s26+$0x0]  }
.LBB2_8:
0x34: {  	p0 =	sne.s32 s29, $0xF0;
	_ =	sdelay $0x1  }
0x35: {  	v6 =	vmov s28;
	s28 =	smov.u32 s29  }
0x36: {  	v6 =	vshll.u32 v6, $0x7  }
0x37: {  	v6 =	vor.u32 v2, v6;
	v7 =	vand.u32 $0xFFFFFF80, v5  }
0x38: {  	v5 =	vand.u32 $0x7F, v5;
	v6 =	vadd.s32 v6, v7  }
0x39: {  	v5 =	vor.u32 v5, v6;
	_ =	sdelay $0x1  }
.Ltmp3:
0x3a: {  	(pc) =	sbr.rel @p0 .LBB2_8-.Ltmp3, $3  }
0x3b: {  	_ =	sdelay $0x1  }
0x3c: {  	s26 =	sadd.s32 $0x10, s26;
	[tilespmem:v5+s19+$0x0] =	vst.idx.msk $0xffff, v0  }
0x3d: {  	s29 =	sadd.s32 $0x10, s29;
	v5 =	vld [tilespmem:s26+$0x0]  }
0x3e: {  	_ =	sdelay $0x1  }
0x3f: {  	v6 =	vmov s28  }
0x40: {  	v6 =	vshll.u32 v6, $0x7  }
0x41: {  	v6 =	vor.u32 v2, v6;
	v7 =	vand.u32 $0xFFFFFF80, v5  }
0x42: {  	v5 =	vand.u32 $0x7F, v5;
	v6 =	vadd.s32 v6, v7  }
0x43: {  	v5 =	vor.u32 v5, v6;
	_ =	sdelay $0x4  }
0x44: {  	[tilespmem:v5+s19+$0x0] =	vst.idx.msk $0xffff, v0  }
.LBB2_10:
0x45: {  	_ =	swait.ge [sflag:s18], $0x100  }
0x46: {  	[sflag:s18] =	ssyncset.done $0x0  }
0x47: {  	s26 =	simm.s32 $0x0;
	[sflag:s18] =	ssyncadd.s32 $0xFFFFFF00  }
0x48: {  	v5 =	vld [tilespmem:s26+$0x0];
	_ =	sdelay $0x4  }
0x49: {  	v5 =	vsub.f32 v5, v3;
	_ =	sdelay $0x1  }
0x4a: {  	v5 =	vmul.f32 v5, v4;
	_ =	sdelay $0x1  }
0x4b: {  	v5 =	vtrunc.f32 v5  }
0x4c: {  	v5 =	vcvt.f32.s32 v5;
	_ =	sdelay $0x1  }
0x4d: {  	v5 =	vadd.s32 $0x1, v5  }
0x4e: {  	v6 =	vmov s26;
	vm0 =	vlt.s32 v5, $0x13  }
0x4f: {  	v6 =	vshll.u32 v6, $0x7;
	v5 =	vnsel vm0, $0x13, v5  }
0x50: {  	v6 =	vor.u32 v2, v6;
	v7 =	vand.u32 $0xFFFFFF80, v5  }
0x51: {  	v8 =	vand.u32 $0x7F, v5;
	v6 =	vadd.s32 v6, v7  }
0x52: {  	v6 =	vor.u32 v8, v6;
	_ =	sdelay $0x4  }
0x53: {  	s28 =	simm.s32 $0x10200;
	[tilespmem:v6+s19+$0x0] =	vst.idx.msk $0xffff, v1  }
0x54: {  	s29 =	simm.s32 $0x10;
	[tilespmem:s28+$0x0] =	vst v5  }
0x55: {  	v5 =	vld [tilespmem:s29+$0x0]  }
0x56: {  	s30 =	simm.s32 $0x20;
	s31 =	simm.s32 $0x10;
	s26 =	sshll.u32 s25, $0x9  }
.LBB2_11:
0x57: {  	p0 =	sne.s32 s30, $0xF0;
	_ =	sdelay $0x2  }
0x58: {  	v5 =	vsub.f32 v5, v3;
	_ =	sdelay $0x1  }
0x59: {  	v5 =	vmul.f32 v5, v4;
	_ =	sdelay $0x1  }
0x5a: {  	v5 =	vtrunc.f32 v5  }
0x5b: {  	v5 =	vcvt.f32.s32 v5;
	_ =	sdelay $0x1  }
0x5c: {  	v5 =	vadd.s32 $0x1, v5  }
0x5d: {  	v6 =	vmov s29;
	s29 =	smov.u32 s30;
	vm0 =	vlt.s32 v5, $0x13  }
0x5e: {  	v6 =	vshll.u32 v6, $0x7;
	v5 =	vnsel vm0, $0x13, v5  }
0x5f: {  	v6 =	vor.u32 v2, v6;
	v7 =	vand.u32 $0xFFFFFF80, v5  }
0x60: {  	v8 =	vand.u32 $0x7F, v5;
	v6 =	vadd.s32 v6, v7  }
0x61: {  	v6 =	vor.u32 v8, v6;
	_ =	sdelay $0x3  }
.Ltmp4:
0x62: {  	(pc) =	sbr.rel @p0 .LBB2_11-.Ltmp4, $4  }
0x63: {  	s28 =	sadd.s32 $0x10, s28;
	[tilespmem:v6+s19+$0x0] =	vst.idx.msk $0xffff, v1  }
0x64: {  	s31 =	sadd.s32 $0x10, s31;
	[tilespmem:s28+$0x0] =	vst v5  }
0x65: {  	v5 =	vld [tilespmem:s31+$0x0]  }
0x66: {  	s30 =	sadd.s32 $0x10, s30  }
0x67: {  	_ =	sdelay $0x2  }
0x68: {  	v5 =	vsub.f32 v5, v3;
	_ =	sdelay $0x1  }
0x69: {  	v5 =	vmul.f32 v5, v4;
	_ =	sdelay $0x1  }
0x6a: {  	v5 =	vtrunc.f32 v5  }
0x6b: {  	v5 =	vcvt.f32.s32 v5;
	_ =	sdelay $0x1  }
0x6c: {  	v5 =	vadd.s32 $0x1, v5  }
0x6d: {  	v6 =	vmov s29;
	vm0 =	vlt.s32 v5, $0x13  }
0x6e: {  	v6 =	vshll.u32 v6, $0x7;
	v5 =	vnsel vm0, $0x13, v5  }
0x6f: {  	v6 =	vor.u32 v2, v6;
	v7 =	vand.u32 $0xFFFFFF80, v5  }
0x70: {  	v8 =	vand.u32 $0x7F, v5;
	v6 =	vadd.s32 v6, v7  }
0x71: {  	v6 =	vor.u32 v8, v6;
	_ =	sdelay $0x2  }
0x72: {  	p0 =	seq.s32 s25, $0x7F  }
0x73: {  	s29 =	sadd.s32 @!p0 s26, s10  }
.Ltmp5:
0x74: {  	s28 =	sadd.s32 $0x10, s28;
	s29 =	sshrl.u32 @!p0 s29, $0x3;
	[tilespmem:v6+s19+$0x0] =	vst.idx.msk $0xffff, v1;
	(pc) =	sbr.rel @p1 .LBB2_16-.Ltmp5, $4  }
0x75: {  	s31 =	sshll.u32 s25, $0xD;
	[tilespmem:s28+$0x0] =	vst v5;
	s28 =	sadd.s32 @!p0 s1, s29;
	s29 =	simm.s32 @!p0 $0x0  }
0x76: {  	[tilespmem:s29], [sflag:$0x1] =	stream.linear.gather @!p0 [hbm4b:s28+s29], $0x100, $0x38;
	[tilespmem:$0x10500] =	vst v63  }
0x77: {  	s28 =	sadd.s32 s31, s11  }
0x78: {  	[hbm4b:s28+s4] =	stream.linear.scatter [tilespmem:s19], [sflag:$0x3], $0x8000, $0x38;
	[tilespmem:$0x10500] =	vst v63  }
0x79: {  	_ =	swait.ge [sflag:s23], $0x8000  }
0x7a: {  	[sflag:s23] =	ssyncset.done $0x0  }
0x7b: {  	s28 =	simm.s32 $0x10300;
	[sflag:s23] =	ssyncadd.s32 $0xFFFF8000  }
0x7c: {  	s29 =	simm.s32 $0x0;
	s30 =	simm.s32 $0x10;
	v5 =	vld [tilespmem:s28+$0x0]  }
.LBB2_14:
0x7d: {  	p1 =	sne.s32 s30, $0xF0;
	_ =	sdelay $0x1  }
0x7e: {  	v6 =	vmov s29;
	s29 =	smov.u32 s30  }
0x7f: {  	v6 =	vshll.u32 v6, $0x7  }
0x80: {  	v6 =	vor.u32 v2, v6;
	v7 =	vand.u32 $0xFFFFFF80, v5  }
0x81: {  	v5 =	vand.u32 $0x7F, v5;
	v6 =	vadd.s32 v6, v7  }
0x82: {  	v5 =	vor.u32 v5, v6;
	_ =	sdelay $0x1  }
.Ltmp6:
0x83: {  	(pc) =	sbr.rel @p1 .LBB2_14-.Ltmp6, $3  }
0x84: {  	_ =	sdelay $0x1  }
0x85: {  	s28 =	sadd.s32 $0x10, s28;
	[tilespmem:v5+s21+$0x0] =	vst.idx.msk $0xffff, v0  }
0x86: {  	s30 =	sadd.s32 $0x10, s30;
	v5 =	vld [tilespmem:s28+$0x0]  }
0x87: {  	_ =	sdelay $0x1  }
0x88: {  	v6 =	vmov s29  }
0x89: {  	v6 =	vshll.u32 v6, $0x7  }
0x8a: {  	v6 =	vor.u32 v2, v6;
	v7 =	vand.u32 $0xFFFFFF80, v5  }
0x8b: {  	v5 =	vand.u32 $0x7F, v5;
	v6 =	vadd.s32 v6, v7  }
0x8c: {  	v5 =	vor.u32 v5, v6;
	_ =	sdelay $0x4  }
0x8d: {  	[tilespmem:v5+s21+$0x0] =	vst.idx.msk $0xffff, v0  }
.LBB2_16:
0x8e: {  	_ =	swait.ge [sflag:s20], $0x100  }
0x8f: {  	[sflag:s20] =	ssyncset.done $0x0  }
0x90: {  	s28 =	simm.s32 $0x100;
	[sflag:s20] =	ssyncadd.s32 $0xFFFFFF00  }
0x91: {  	v5 =	vld [tilespmem:s28+$0x0];
	_ =	sdelay $0x4  }
0x92: {  	v5 =	vsub.f32 v5, v3;
	_ =	sdelay $0x1  }
0x93: {  	v5 =	vmul.f32 v5, v4;
	_ =	sdelay $0x1  }
0x94: {  	v5 =	vtrunc.f32 v5  }
0x95: {  	v5 =	vcvt.f32.s32 v5;
	_ =	sdelay $0x1  }
0x96: {  	s28 =	simm.s32 $0x0;
	v5 =	vadd.s32 $0x1, v5  }
0x97: {  	v6 =	vmov s28;
	vm0 =	vlt.s32 v5, $0x13  }
0x98: {  	v6 =	vshll.u32 v6, $0x7;
	v5 =	vnsel vm0, $0x13, v5  }
0x99: {  	v6 =	vor.u32 v2, v6;
	v7 =	vand.u32 $0xFFFFFF80, v5  }
0x9a: {  	v8 =	vand.u32 $0x7F, v5;
	v6 =	vadd.s32 v6, v7  }
0x9b: {  	v6 =	vor.u32 v8, v6;
	_ =	sdelay $0x4  }
0x9c: {  	s28 =	simm.s32 $0x10300;
	[tilespmem:v6+s21+$0x0] =	vst.idx.msk $0xffff, v1  }
0x9d: {  	s30 =	simm.s32 $0x110;
	[tilespmem:s28+$0x0] =	vst v5  }
0x9e: {  	v5 =	vld [tilespmem:s30+$0x0]  }
0x9f: {  	s29 =	simm.s32 $0x10;
	s31 =	simm.s32 $0x20  }
.LBB2_17:
0xa0: {  	p1 =	sne.s32 s31, $0xF0;
	_ =	sdelay $0x2  }
0xa1: {  	v5 =	vsub.f32 v5, v3;
	_ =	sdelay $0x1  }
0xa2: {  	v5 =	vmul.f32 v5, v4;
	_ =	sdelay $0x1  }
0xa3: {  	v5 =	vtrunc.f32 v5  }
0xa4: {  	v5 =	vcvt.f32.s32 v5;
	_ =	sdelay $0x1  }
0xa5: {  	v5 =	vadd.s32 $0x1, v5  }
0xa6: {  	v6 =	vmov s29;
	s29 =	smov.u32 s31;
	vm0 =	vlt.s32 v5, $0x13  }
0xa7: {  	v6 =	vshll.u32 v6, $0x7;
	v5 =	vnsel vm0, $0x13, v5  }
0xa8: {  	v6 =	vor.u32 v2, v6;
	v7 =	vand.u32 $0xFFFFFF80, v5  }
0xa9: {  	v8 =	vand.u32 $0x7F, v5;
	v6 =	vadd.s32 v6, v7  }
0xaa: {  	v6 =	vor.u32 v8, v6;
	_ =	sdelay $0x3  }
.Ltmp7:
0xab: {  	(pc) =	sbr.rel @p1 .LBB2_17-.Ltmp7, $4  }
0xac: {  	s28 =	sadd.s32 $0x10, s28;
	[tilespmem:v6+s21+$0x0] =	vst.idx.msk $0xffff, v1  }
0xad: {  	s30 =	sadd.s32 $0x10, s30;
	[tilespmem:s28+$0x0] =	vst v5  }
0xae: {  	v5 =	vld [tilespmem:s30+$0x0]  }
0xaf: {  	s31 =	sadd.s32 $0x10, s31  }
0xb0: {  	_ =	sdelay $0x2  }
0xb1: {  	v5 =	vsub.f32 v5, v3;
	_ =	sdelay $0x1  }
0xb2: {  	v5 =	vmul.f32 v5, v4;
	_ =	sdelay $0x1  }
0xb3: {  	v5 =	vtrunc.f32 v5  }
0xb4: {  	v5 =	vcvt.f32.s32 v5;
	_ =	sdelay $0x1  }
0xb5: {  	v5 =	vadd.s32 $0x1, v5  }
0xb6: {  	v6 =	vmov s29;
	vm0 =	vlt.s32 v5, $0x13  }
0xb7: {  	v6 =	vshll.u32 v6, $0x7;
	v5 =	vnsel vm0, $0x13, v5  }
0xb8: {  	v6 =	vor.u32 v2, v6;
	v7 =	vand.u32 $0xFFFFFF80, v5  }
0xb9: {  	v8 =	vand.u32 $0x7F, v5;
	v6 =	vadd.s32 v6, v7  }
0xba: {  	v6 =	vor.u32 v8, v6;
	_ =	sdelay $0x3  }
0xbb: {  	s30 =	sadd.s32 s26, s5;
	s26 =	sadd.s32 @!p0 s26, s12;
	s28 =	sadd.s32 $0x10, s28  }
0xbc: {  	s25 =	sadd.s32 $0x1, s25;
	s29 =	sadd.s32 $0x100, s30;
	s26 =	sshrl.u32 @!p0 s26, $0x3;
	[tilespmem:v6+s21+$0x0] =	vst.idx.msk $0xffff, v1  }
0xbd: {  	s30 =	simm.s32 @!p0 $0x100;
	s26 =	sadd.s32 @!p0 s1, s26;
	[tilespmem:s28+$0x0] =	vst v5;
	s28 =	simm.s32 @!p0 $0x0  }
0xbe: {  	[tilespmem:s30], [sflag:$0x2] =	stream.linear.gather @!p0 [hbm4b:s26+s28], $0x100, $0x38;
	[tilespmem:$0x10500] =	vst v63  }
0xbf: {  	p0 =	sne.s32 s25, $0x80  }
.Ltmp8:
0xc0: {  	_ = 	snop;
	(pc) =	sbr.rel @p0 .LBB2_6-.Ltmp8, $4  }
0xc1: {  	_ = 	snop  }
0xc2: {  	s31 =	sshll.u32 s29, $0x4  }
0xc3: {  	s26 =	sadd.s32 s7, s31  }
0xc4: {  	[hbm4b:s26+s4] =	stream.linear.scatter [tilespmem:s21], [sflag:$0x4], $0x8000, $0x38;
	[tilespmem:$0x10500] =	vst v63  }
0xc5: {  	s24 =	sadd.s32 $0x1, s24  }
0xc6: {  	_ =	swait.ge [sflag:s22], $0x8000;
	p0 =	sne.s32 s24, s13  }
.Ltmp9:
0xc7: {  	[sflag:s22] =	ssyncset.done $0x0;
	(pc) =	sbr.rel @p0 .LBB2_1-.Ltmp9, $4  }
0xc8: {  	[sflag:s22] =	ssyncadd.s32 $0xFFFF8000  }
0xc9: {  	_ =	swait.ge [sflag:s23], $0x8000  }
0xca: {  	[sflag:s23] =	ssyncset.done $0x0  }
0xcb: {  	[sflag:s23] =	ssyncadd.s32 $0xFFFF8000  }
0xcc: {  	_ =	sfence.sel $0x180000  }
0xcd: {  	[bflag:$0x0] =	sbarrier.arrive $0xFFFF  }
0xce: {  	p0 =	sne.s32 s3, $0x0;
	_ =	strace $0x90000047  }
0xcf: {  	s0 =	sadd.s32 @!p0 $0x100000, s0;
	[bflag:$0x2] =	sbarrier.arrive $0xFFFF  }
0xd0: {  	[sflag:s0] =	ssyncadd.tile.s32 @!p0 $0x1;
	_ =	shalt  }
.Lfunc_end2:
_tile_overlayer_lowered:
.L_overlay_start_2:
0xd1: {  	(tag) =	ssettag $0x2  }
0xd2: {  	s0 =	rddreg [dreg:$0x0];
	s2 =	stileid.u32  }
0xd3: {  	s1 =	rddreg [dreg:$0x1];
	p0 =	sne.s32 s2, $0x0  }
0xd4: {  	s3 =	rddreg [dreg:$0x2];
	[bflag:$0x3] =	sbarrier.arrive $0xFFFF;
	s2 =	simm.s32 @!p0 $0x1C05  }
0xd5: {  	[timem:s3], [sflag:s2] =	dma.local @!p0 [hbm:s0], s1  }
0xd6: {  	s0 =	simm.s32 @!p0 $0x5  }
0xd7: {  	_ =	swait.ge @!p0 [sflag:s0], s1  }
0xd8: {  	s1 =	ssub.s32 @!p0 $0x0, s1;
	[sflag:s0] =	ssyncset.done @!p0 $0x0  }
0xd9: {  	[sflag:s0] =	ssyncadd.s32 @!p0 s1  }
0xda: {  	[bflag:$0x3] =	sbarrier.arrive $0xFFFF  }
0xdb: {  	_ =	shalt  }

</sc_bundles>
